<compile_context>
chip_gen: v7x
topology: tpu7x:2x2x1
jax: 0.10.2.dev20260603
libtpu: 0.0.44.dev20260713+nightly
codegen_flags: <defaults>
</compile_context>

<pallas_src>
import functools

import jax
import jax.numpy as jnp
from jax import lax
from jax.experimental import pallas as pl
from jax.experimental.pallas import tpu as pltpu
from jax.experimental.pallas import tpu_sc as plsc

B = 8
HR = 4096
LR = 1024
D = 128


BH = 2048
NBH = HR // BH


def _argmin_body(pos_hr_t_ref, pos_lr_ref, gidx_ref, ip_ref):
    b = pl.program_id(0)
    pht = pos_hr_t_ref[0]
    plr = pos_lr_ref[0]
    s_hr = jnp.sum(pht * pht, axis=0, keepdims=True)
    s_lr = jnp.sum(plr * plr, axis=-1, keepdims=True)
    dot = lax.dot_general(plr, pht, (((1,), (0,)), ((), ())))
    d2 = s_hr + s_lr - 2.0 * dot
    idx = jnp.argmin(d2, axis=0)
    gidx_ref[...] = idx + b * LR
    onehot = (jax.lax.broadcasted_iota(jnp.int32, (LR, BH), 0)
              == idx[None, :]).astype(jnp.bfloat16)
    ip_ref[0] = lax.dot_general(
        plr.astype(jnp.bfloat16), onehot,
        (((0,), (0,)), ((), ())),
        preferred_element_type=jnp.float32)


def _nn_indices(pos_hr_t, pos_lr3):
    return pl.pallas_call(
        _argmin_body,
        grid=(B, NBH),
        in_specs=[
            pl.BlockSpec((1, 3, BH), lambda b, i: (b, 0, i)),
            pl.BlockSpec((1, LR, 3), lambda b, i: (b, 0, 0)),
        ],
        out_specs=[
            pl.BlockSpec((BH,), lambda b, i: (b * NBH + i,)),
            pl.BlockSpec((1, 3, BH), lambda b, i: (b, 0, i)),
        ],
        out_shape=[
            jax.ShapeDtypeStruct((B * HR,), jnp.int32),
            jax.ShapeDtypeStruct((B, 3, HR), jnp.float32),
        ],
    )(pos_hr_t, pos_lr3)



NC = 2
NS = 16
NW = NC * NS
CH = 128
ROWS_PER_W = (B * HR) // NW
NCH = ROWS_PER_W // CH


def _sc_gather(gidx, x_lr):
    mesh = plsc.VectorSubcoreMesh(core_axis_name="c", subcore_axis_name="s")

    @functools.partial(
        pl.kernel,
        mesh=mesh,
        out_type=jax.ShapeDtypeStruct((B * HR, D), jnp.float32),
        scratch_types=[
            pltpu.VMEM((CH,), jnp.int32),
            pltpu.VMEM((CH,), jnp.int32),
            pltpu.VMEM((CH, D), jnp.float32),
            pltpu.VMEM((CH, D), jnp.float32),
            pltpu.SemaphoreType.DMA,
            pltpu.SemaphoreType.DMA,
            pltpu.SemaphoreType.DMA,
        ],
    )
    def gather_kernel(gidx_hbm, xlr_hbm, ox_hbm,
                      idx_v0, idx_v1, rx_v0, rx_v1, semi, sem0, sem1):
        wid = lax.axis_index("s") * NC + lax.axis_index("c")
        base0 = wid * ROWS_PER_W

        pltpu.sync_copy(gidx_hbm.at[pl.ds(base0, CH)], idx_v0)
        g0 = pltpu.async_copy(xlr_hbm.at[idx_v0], rx_v0, sem0)

        @pl.loop(0, NCH // 2)
        def _(p):
            base = base0 + 2 * p * CH
            pltpu.sync_copy(gidx_hbm.at[pl.ds(base + CH, CH)], idx_v1)
            g1 = pltpu.async_copy(xlr_hbm.at[idx_v1], rx_v1, sem1)
            pltpu.make_async_copy(xlr_hbm.at[idx_v0], rx_v0, sem0).wait()
            pltpu.sync_copy(rx_v0, ox_hbm.at[pl.ds(base, CH)])

            @pl.when(p + 1 < NCH // 2)
            def _():
                nbase = base + 2 * CH
                pltpu.sync_copy(gidx_hbm.at[pl.ds(nbase, CH)], idx_v0)
                pltpu.async_copy(xlr_hbm.at[idx_v0], rx_v0, sem0)

            g1.wait()
            pltpu.sync_copy(rx_v1, ox_hbm.at[pl.ds(base + CH, CH)])

    return gather_kernel(gidx, x_lr)




BC = 4096
NBC = (B * HR) // BC
BPB = HR // BC


def _assemble_body(x_hr_ref, pos_hr_t_ref, ix_ref, ip_ref, out_ref):
    out_ref[0:D, :] = x_hr_ref[...].T
    out_ref[D:D + 3, :] = pos_hr_t_ref[0]
    out_ref[D + 3:2 * D + 3, :] = ix_ref[...].T
    out_ref[2 * D + 3:2 * D + 6, :] = ip_ref[0]


def _assemble(x_hr, pos_hr_t, interp_x, interp_p):
    return pl.pallas_call(
        _assemble_body,
        grid=(NBC,),
        in_specs=[
            pl.BlockSpec((BC, D), lambda i: (i, 0)),
            pl.BlockSpec((1, 3, BC), lambda i: (i // BPB, 0, i % BPB)),
            pl.BlockSpec((BC, D), lambda i: (i, 0)),
            pl.BlockSpec((1, 3, BC), lambda i: (i // BPB, 0, i % BPB)),
        ],
        out_specs=pl.BlockSpec((2 * D + 6, BC), lambda i: (0, i)),
        out_shape=jax.ShapeDtypeStruct((2 * D + 6, B * HR), jnp.float32),
    )(x_hr, pos_hr_t, interp_x, interp_p)


@jax.jit
def _upsample(x_hr, pos_hr, x_lr, pos_lr):
    pos_lr3 = pos_lr.reshape(B, LR, 3)
    pos_hr_t = pos_hr.reshape(B, HR, 3).transpose(0, 2, 1)
    gidx, interp_p = _nn_indices(pos_hr_t, pos_lr3)
    interp_x = _sc_gather(gidx, x_lr)
    return _assemble(x_hr, pos_hr_t, interp_x, interp_p).T


def kernel(x_hr, pos_hr, batch_hr, x_lr, pos_lr, batch_lr):
    out_x = _upsample(x_hr, pos_hr, x_lr, pos_lr)
    zeros3 = jnp.zeros((out_x.shape[0], 3), dtype=pos_hr.dtype)
    return (out_x, zeros3, batch_hr)

# --- scband reference (transcript-rebuilt; emitter-appended) ---
"""Pipeline reference for scband-upsample-mrg-52879637348767 (READ-ONLY COPY).

The authoritative reference and input builder live on the scoring server;
editing this copy changes nothing except your own understanding.
"""

import jax, jax.numpy as jnp
import numpy as np

B = 8
HR = 4096
LR = 1024
D = 128

def setup_inputs(seed: int = 0) -> dict:
    key = jax.random.key(seed)
    k1, k2, k3, k4 = jax.random.split(key, 4)
    x_hr = jax.random.normal(k1, (B * HR, D), dtype=jnp.float32)
    pos_hr = jax.random.uniform(k2, (B * HR, 3), dtype=jnp.float32)
    x_lr = jax.random.normal(k3, (B * LR, D), dtype=jnp.float32)
    pos_lr = jax.random.uniform(k4, (B * LR, 3), dtype=jnp.float32)
    # equal-sized, sorted batch segments (B samples of HR / LR points each)
    batch_hr = jnp.repeat(jnp.arange(B, dtype=jnp.int32), HR)
    batch_lr = jnp.repeat(jnp.arange(B, dtype=jnp.int32), LR)
    return {"x_hr": x_hr, "pos_hr": pos_hr, "batch_hr": batch_hr,
            "x_lr": x_lr, "pos_lr": pos_lr, "batch_lr": batch_lr}


def _knn_interpolate_k1(lr_feat, pos_lr, pos_hr):
    # batch-segmented 1-NN: equal sorted segments -> per-sample brute-force knn
    p_hr = pos_hr.reshape(B, HR, 3)
    p_lr = pos_lr.reshape(B, LR, 3)
    d2 = (jnp.sum(p_hr * p_hr, axis=-1)[:, :, None]
          + jnp.sum(p_lr * p_lr, axis=-1)[:, None, :]
          - 2.0 * jnp.einsum('bnd,bmd->bnm', p_hr, p_lr))  # [B, HR, LR]
    nn_idx = jnp.argmin(d2, axis=-1)  # [B, HR]
    gidx = (nn_idx + (jnp.arange(B, dtype=nn_idx.dtype) * LR)[:, None]).reshape(-1)
    # k=1 inverse-distance weights cancel: y = (w * x[nn]) / w = x[nn]
    return jnp.take(lr_feat, gidx, axis=0)


def reference(x_hr, pos_hr, batch_hr, x_lr, pos_lr, batch_lr):
    out_x = jnp.concatenate([x_hr, pos_hr], axis=1)
    lr_feat = jnp.concatenate([x_lr, pos_lr], axis=1)
    interp = _knn_interpolate_k1(lr_feat, pos_lr, pos_hr)
    out_x = jnp.concatenate([out_x, interp], axis=1)
    zeros3 = jnp.zeros((out_x.shape[0], 3), dtype=pos_hr.dtype)
    return (out_x, zeros3, batch_hr)

if __name__ == "__main__":
    import jax
    _d = setup_inputs()
    print(jax.jit(kernel)(*tuple(_d.values())))

</pallas_src>

<mosaic_0001>
#map = affine_map<(d0, d1) -> (0)>
#map1 = affine_map<(d0, d1) -> (0, 0)>
module attributes {stable_mosaic.version = 14 : i64} {
  func.func @gather_kernel(%arg0: i32, %arg1: i32, %arg2: memref<32768xi32, #tpu.memory_space<hbm>>, %arg3: memref<8192x128xf32, #tpu.memory_space<hbm>>, %arg4: memref<32768x128xf32, #tpu.memory_space<hbm>>, %arg5: memref<128xi32, #tpu.memory_space<vmem>>, %arg6: memref<128xi32, #tpu.memory_space<vmem>>, %arg7: memref<128x128xf32, #tpu.memory_space<vmem>>, %arg8: memref<128x128xf32, #tpu.memory_space<vmem>>, %arg9: memref<!tpu.dma_semaphore, #tpu.memory_space<semaphore_mem>>, %arg10: memref<!tpu.dma_semaphore, #tpu.memory_space<semaphore_mem>>, %arg11: memref<!tpu.dma_semaphore, #tpu.memory_space<semaphore_mem>>) attributes {dimension_semantics = [#tpu.dimension_semantics<core_parallel>, #tpu.dimension_semantics<subcore_parallel>], iteration_bounds = array<i64: 2, 16>, scalar_prefetch = 0 : i64, scratch_operands = 7 : i64, tpu.core_type = #tpu.core_type<sc_vector_subcore>, window_params = [{transform_indices = #map}, {transform_indices = #map1}, {transform_indices = #map1}]} {
    %mul3A = arith.constant 2 : i32
    %mul3A_0 = arith.muli %arg1, %mul3A : i32
    %add3A = arith.addi %mul3A_0, %arg0 : i32
    %mul3A_1 = arith.constant 1024 : i32
    %mul3A_2 = arith.muli %add3A, %mul3A_1 : i32
    "tpu.region"() ({
      %run_scoped3A = tpu.sem_alloc : memref<!tpu.dma_semaphore, #tpu.memory_space<semaphore_mem>>
      %dma_start3A_9 = tpu.memref_slice %arg2[%mul3A_2] : memref<32768xi32, #tpu.memory_space<hbm>> -> memref<128xi32, #tpu.memory_space<hbm>>
      %dma_start3A_10 = tpu.memref_slice %arg2[%mul3A_2] : memref<32768xi32, #tpu.memory_space<hbm>> -> memref<128xi32, #tpu.memory_space<hbm>>
      tpu.enqueue_dma source(%dma_start3A_10 : memref<128xi32, #tpu.memory_space<hbm>>) target(%arg5 : memref<128xi32, #tpu.memory_space<vmem>>) target_semaphore(%run_scoped3A : memref<!tpu.dma_semaphore, #tpu.memory_space<semaphore_mem>>)
      %dma_wait3A = tpu.memref_slice %arg2[%mul3A_2] : memref<32768xi32, #tpu.memory_space<hbm>> -> memref<128xi32, #tpu.memory_space<hbm>>
      %dma_wait3A_11 = tpu.memref_slice %arg2[%mul3A_2] : memref<32768xi32, #tpu.memory_space<hbm>> -> memref<128xi32, #tpu.memory_space<hbm>>
      tpu.wait_dma2 semaphore(%run_scoped3A : memref<!tpu.dma_semaphore, #tpu.memory_space<semaphore_mem>>) src(%dma_wait3A_11 : memref<128xi32, #tpu.memory_space<hbm>>) dst(%arg5 : memref<128xi32, #tpu.memory_space<vmem>>)
      tpu.yield
    }) : () -> ()
    %dma_start3A = arith.constant 0 : i32
    %dma_start3A_3 = arith.constant 0 : i32
    %dma_start3A_4 = tpu.memref_slice %arg3[%dma_start3A, %dma_start3A_3] : memref<8192x128xf32, #tpu.memory_space<hbm>> -> memref<8192x128xf32, #tpu.memory_space<hbm>>
    tpu.enqueue_indirect_dma source(%dma_start3A_4 : memref<8192x128xf32, #tpu.memory_space<hbm>>) target(%arg7 : memref<128x128xf32, #tpu.memory_space<vmem>>) offsets(%arg5 : memref<128xi32, #tpu.memory_space<vmem>>) semaphore(%arg10 : memref<!tpu.dma_semaphore, #tpu.memory_space<semaphore_mem>>)
    %scan3A = arith.constant 0 : i32
    %scan3A_5 = arith.constant 4 : i32
    %scan3A_6 = arith.addi %scan3A, %scan3A_5 : i32
    %scan3A_7 = arith.constant 1 : i32
    scf.for %scan3A_9 = %scan3A to %scan3A_6 step %scan3A_7  : i32 {
      %mul3A_10 = arith.constant 1 : i32
      %mul3A_11 = arith.muli %scan3A_9, %mul3A_10 : i32
      %add3A_12 = arith.constant 0 : i32
      %add3A_13 = arith.addi %add3A_12, %mul3A_11 : i32
      %mul3A_14 = arith.constant 2 : i32
      %mul3A_15 = arith.muli %mul3A_14, %add3A_13 : i32
      %mul3A_16 = arith.constant 128 : i32
      %mul3A_17 = arith.muli %mul3A_15, %mul3A_16 : i32
      %add3A_18 = arith.addi %mul3A_2, %mul3A_17 : i32
      %add3A_19 = arith.constant 128 : i32
      %add3A_20 = arith.addi %add3A_18, %add3A_19 : i32
      "tpu.region"() ({
        %run_scoped3A = tpu.sem_alloc : memref<!tpu.dma_semaphore, #tpu.memory_space<semaphore_mem>>
        %dma_start3A_35 = tpu.memref_slice %arg2[%add3A_20] : memref<32768xi32, #tpu.memory_space<hbm>> -> memref<128xi32, #tpu.memory_space<hbm>>
        %dma_start3A_36 = tpu.memref_slice %arg2[%add3A_20] : memref<32768xi32, #tpu.memory_space<hbm>> -> memref<128xi32, #tpu.memory_space<hbm>>
        tpu.enqueue_dma source(%dma_start3A_36 : memref<128xi32, #tpu.memory_space<hbm>>) target(%arg6 : memref<128xi32, #tpu.memory_space<vmem>>) target_semaphore(%run_scoped3A : memref<!tpu.dma_semaphore, #tpu.memory_space<semaphore_mem>>)
        %dma_wait3A_37 = tpu.memref_slice %arg2[%add3A_20] : memref<32768xi32, #tpu.memory_space<hbm>> -> memref<128xi32, #tpu.memory_space<hbm>>
        %dma_wait3A_38 = tpu.memref_slice %arg2[%add3A_20] : memref<32768xi32, #tpu.memory_space<hbm>> -> memref<128xi32, #tpu.memory_space<hbm>>
        tpu.wait_dma2 semaphore(%run_scoped3A : memref<!tpu.dma_semaphore, #tpu.memory_space<semaphore_mem>>) src(%dma_wait3A_38 : memref<128xi32, #tpu.memory_space<hbm>>) dst(%arg6 : memref<128xi32, #tpu.memory_space<vmem>>)
        tpu.yield
      }) : () -> ()
      %dma_start3A_21 = arith.constant 0 : i32
      %dma_start3A_22 = arith.constant 0 : i32
      %dma_start3A_23 = tpu.memref_slice %arg3[%dma_start3A_21, %dma_start3A_22] : memref<8192x128xf32, #tpu.memory_space<hbm>> -> memref<8192x128xf32, #tpu.memory_space<hbm>>
      tpu.enqueue_indirect_dma source(%dma_start3A_23 : memref<8192x128xf32, #tpu.memory_space<hbm>>) target(%arg8 : memref<128x128xf32, #tpu.memory_space<vmem>>) offsets(%arg6 : memref<128xi32, #tpu.memory_space<vmem>>) semaphore(%arg11 : memref<!tpu.dma_semaphore, #tpu.memory_space<semaphore_mem>>)
      %dma_wait3A = arith.constant 0 : i32
      %dma_wait3A_24 = arith.constant 0 : i32
      %dma_wait3A_25 = tpu.memref_slice %arg3[%dma_wait3A, %dma_wait3A_24] : memref<8192x128xf32, #tpu.memory_space<hbm>> -> memref<8192x128xf32, #tpu.memory_space<hbm>>
      tpu.wait_indirect_dma semaphore(%arg10 : memref<!tpu.dma_semaphore, #tpu.memory_space<semaphore_mem>>) src(%dma_wait3A_25 : memref<8192x128xf32, #tpu.memory_space<hbm>>) dst(%arg7 : memref<128x128xf32, #tpu.memory_space<vmem>>)
      "tpu.region"() ({
        %run_scoped3A = tpu.sem_alloc : memref<!tpu.dma_semaphore, #tpu.memory_space<semaphore_mem>>
        %dma_start3A_35 = arith.constant 0 : i32
        %dma_start3A_36 = tpu.memref_slice %arg4[%add3A_18, %dma_start3A_35] : memref<32768x128xf32, #tpu.memory_space<hbm>> -> memref<128x128xf32, #tpu.memory_space<hbm>>
        %dma_start3A_37 = arith.constant 0 : i32
        %dma_start3A_38 = tpu.memref_slice %arg4[%add3A_18, %dma_start3A_37] : memref<32768x128xf32, #tpu.memory_space<hbm>> -> memref<128x128xf32, #tpu.memory_space<hbm>>
        tpu.enqueue_dma source(%arg7 : memref<128x128xf32, #tpu.memory_space<vmem>>) target(%dma_start3A_38 : memref<128x128xf32, #tpu.memory_space<hbm>>) target_semaphore(%run_scoped3A : memref<!tpu.dma_semaphore, #tpu.memory_space<semaphore_mem>>)
        %dma_wait3A_39 = arith.constant 0 : i32
        %dma_wait3A_40 = tpu.memref_slice %arg4[%add3A_18, %dma_wait3A_39] : memref<32768x128xf32, #tpu.memory_space<hbm>> -> memref<128x128xf32, #tpu.memory_space<hbm>>
        %dma_wait3A_41 = arith.constant 0 : i32
        %dma_wait3A_42 = tpu.memref_slice %arg4[%add3A_18, %dma_wait3A_41] : memref<32768x128xf32, #tpu.memory_space<hbm>> -> memref<128x128xf32, #tpu.memory_space<hbm>>
        tpu.wait_dma2 semaphore(%run_scoped3A : memref<!tpu.dma_semaphore, #tpu.memory_space<semaphore_mem>>) src(%arg7 : memref<128x128xf32, #tpu.memory_space<vmem>>) dst(%dma_wait3A_42 : memref<128x128xf32, #tpu.memory_space<hbm>>)
        tpu.yield
      }) : () -> ()
      %add3A_26 = arith.constant 1 : i32
      %add3A_27 = arith.addi %add3A_13, %add3A_26 : i32
      %lt3A = arith.constant 4 : i32
      %lt3A_28 = arith.cmpi slt, %add3A_27, %lt3A : i32
      %convert_element_type3A = arith.extui %lt3A_28 : i1 to i32
      %cond3A = arith.constant 0 : i32
      %cond3A_29 = arith.cmpi ne, %convert_element_type3A, %cond3A : i32
      scf.if %cond3A_29 {
        %add3A_35 = arith.constant 256 : i32
        %add3A_36 = arith.addi %add3A_18, %add3A_35 : i32
        "tpu.region"() ({
          %run_scoped3A = tpu.sem_alloc : memref<!tpu.dma_semaphore, #tpu.memory_space<semaphore_mem>>
          %dma_start3A_40 = tpu.memref_slice %arg2[%add3A_36] : memref<32768xi32, #tpu.memory_space<hbm>> -> memref<128xi32, #tpu.memory_space<hbm>>
          %dma_start3A_41 = tpu.memref_slice %arg2[%add3A_36] : memref<32768xi32, #tpu.memory_space<hbm>> -> memref<128xi32, #tpu.memory_space<hbm>>
          tpu.enqueue_dma source(%dma_start3A_41 : memref<128xi32, #tpu.memory_space<hbm>>) target(%arg5 : memref<128xi32, #tpu.memory_space<vmem>>) target_semaphore(%run_scoped3A : memref<!tpu.dma_semaphore, #tpu.memory_space<semaphore_mem>>)
          %dma_wait3A_42 = tpu.memref_slice %arg2[%add3A_36] : memref<32768xi32, #tpu.memory_space<hbm>> -> memref<128xi32, #tpu.memory_space<hbm>>
          %dma_wait3A_43 = tpu.memref_slice %arg2[%add3A_36] : memref<32768xi32, #tpu.memory_space<hbm>> -> memref<128xi32, #tpu.memory_space<hbm>>
          tpu.wait_dma2 semaphore(%run_scoped3A : memref<!tpu.dma_semaphore, #tpu.memory_space<semaphore_mem>>) src(%dma_wait3A_43 : memref<128xi32, #tpu.memory_space<hbm>>) dst(%arg5 : memref<128xi32, #tpu.memory_space<vmem>>)
          tpu.yield
        }) : () -> ()
        %dma_start3A_37 = arith.constant 0 : i32
        %dma_start3A_38 = arith.constant 0 : i32
        %dma_start3A_39 = tpu.memref_slice %arg3[%dma_start3A_37, %dma_start3A_38] : memref<8192x128xf32, #tpu.memory_space<hbm>> -> memref<8192x128xf32, #tpu.memory_space<hbm>>
        tpu.enqueue_indirect_dma source(%dma_start3A_39 : memref<8192x128xf32, #tpu.memory_space<hbm>>) target(%arg7 : memref<128x128xf32, #tpu.memory_space<vmem>>) offsets(%arg5 : memref<128xi32, #tpu.memory_space<vmem>>) semaphore(%arg10 : memref<!tpu.dma_semaphore, #tpu.memory_space<semaphore_mem>>)
      } else {
      }
      %dma_wait3A_30 = arith.constant 0 : i32
      %dma_wait3A_31 = arith.constant 0 : i32
      %dma_wait3A_32 = tpu.memref_slice %arg3[%dma_wait3A_30, %dma_wait3A_31] : memref<8192x128xf32, #tpu.memory_space<hbm>> -> memref<8192x128xf32, #tpu.memory_space<hbm>>
      tpu.wait_indirect_dma semaphore(%arg11 : memref<!tpu.dma_semaphore, #tpu.memory_space<semaphore_mem>>) src(%dma_wait3A_32 : memref<8192x128xf32, #tpu.memory_space<hbm>>) dst(%arg8 : memref<128x128xf32, #tpu.memory_space<vmem>>)
      %add3A_33 = arith.constant 128 : i32
      %add3A_34 = arith.addi %add3A_18, %add3A_33 : i32
      "tpu.region"() ({
        %run_scoped3A = tpu.sem_alloc : memref<!tpu.dma_semaphore, #tpu.memory_space<semaphore_mem>>
        %dma_start3A_35 = arith.constant 0 : i32
        %dma_start3A_36 = tpu.memref_slice %arg4[%add3A_34, %dma_start3A_35] : memref<32768x128xf32, #tpu.memory_space<hbm>> -> memref<128x128xf32, #tpu.memory_space<hbm>>
        %dma_start3A_37 = arith.constant 0 : i32
        %dma_start3A_38 = tpu.memref_slice %arg4[%add3A_34, %dma_start3A_37] : memref<32768x128xf32, #tpu.memory_space<hbm>> -> memref<128x128xf32, #tpu.memory_space<hbm>>
        tpu.enqueue_dma source(%arg8 : memref<128x128xf32, #tpu.memory_space<vmem>>) target(%dma_start3A_38 : memref<128x128xf32, #tpu.memory_space<hbm>>) target_semaphore(%run_scoped3A : memref<!tpu.dma_semaphore, #tpu.memory_space<semaphore_mem>>)
        %dma_wait3A_39 = arith.constant 0 : i32
        %dma_wait3A_40 = tpu.memref_slice %arg4[%add3A_34, %dma_wait3A_39] : memref<32768x128xf32, #tpu.memory_space<hbm>> -> memref<128x128xf32, #tpu.memory_space<hbm>>
        %dma_wait3A_41 = arith.constant 0 : i32
        %dma_wait3A_42 = tpu.memref_slice %arg4[%add3A_34, %dma_wait3A_41] : memref<32768x128xf32, #tpu.memory_space<hbm>> -> memref<128x128xf32, #tpu.memory_space<hbm>>
        tpu.wait_dma2 semaphore(%run_scoped3A : memref<!tpu.dma_semaphore, #tpu.memory_space<semaphore_mem>>) src(%arg8 : memref<128x128xf32, #tpu.memory_space<vmem>>) dst(%dma_wait3A_42 : memref<128x128xf32, #tpu.memory_space<hbm>>)
        tpu.yield
      }) : () -> ()
    }
    %scan3A_8 = arith.constant 4 : i32
    return
  }
}

module attributes {stable_mosaic.version = 14 : i64} {
  func.func @_assemble_body(%arg0: i32, %arg1: memref<4096x128xf32, #tpu.memory_space<vmem>>, %arg2: memref<1x3x4096xf32, #tpu.memory_space<vmem>>, %arg3: memref<4096x128xf32, #tpu.memory_space<vmem>>, %arg4: memref<1x3x4096xf32, #tpu.memory_space<vmem>>, %arg5: memref<262x4096xf32, #tpu.memory_space<vmem>>) attributes {dimension_semantics = [#tpu.dimension_semantics<arbitrary>], iteration_bounds = array<i64: 8>, scalar_prefetch = 0 : i64, scratch_operands = 0 : i64, tpu.core_type = #tpu.core_type<tc>, window_params = [{transform_indices = @transform_0, window_bounds = array<i64: 4096, 128>}, {transform_indices = @transform_1, window_bounds = array<i64: 1, 3, 4096>}, {transform_indices = @transform_2, window_bounds = array<i64: 4096, 128>}, {transform_indices = @transform_3, window_bounds = array<i64: 1, 3, 4096>}, {transform_indices = @transform_4, window_bounds = array<i64: 262, 4096>}]} {
    %get3A = arith.constant 0 : index
    %get3A_0 = arith.constant 0 : index
    %get3A_1 = vector.load %arg1[%get3A, %get3A_0] : memref<4096x128xf32, #tpu.memory_space<vmem>>, vector<4096x128xf32>
    %transpose3A = tpu.transpose %get3A_1, [1, 0] : vector<4096x128xf32> -> vector<128x4096xf32>
    %swap3A = arith.constant 0 : index
    %swap3A_2 = arith.constant 0 : index
    %swap3A_3 = vector.load %arg5[%swap3A, %swap3A_2] : memref<262x4096xf32, #tpu.memory_space<vmem>>, vector<128x4096xf32>
    tpu.vector_store %arg5[%swap3A, %swap3A_2], %transpose3A {strides = array<i32>} : memref<262x4096xf32, #tpu.memory_space<vmem>>, vector<128x4096xf32>,
    %get3A_4 = arith.constant 0 : index
    %get3A_5 = arith.constant 0 : index
    %get3A_6 = arith.constant 0 : index
    %get3A_7 = vector.load %arg2[%get3A_4, %get3A_5, %get3A_6] : memref<1x3x4096xf32, #tpu.memory_space<vmem>>, vector<1x3x4096xf32>
    %get3A_8 = vector.shape_cast %get3A_7 : vector<1x3x4096xf32> to vector<3x4096xf32>
    %swap3A_9 = arith.constant 128 : index
    %swap3A_10 = arith.constant 0 : index
    %swap3A_11 = vector.load %arg5[%swap3A_9, %swap3A_10] : memref<262x4096xf32, #tpu.memory_space<vmem>>, vector<3x4096xf32>
    tpu.vector_store %arg5[%swap3A_9, %swap3A_10], %get3A_8 {strides = array<i32>} : memref<262x4096xf32, #tpu.memory_space<vmem>>, vector<3x4096xf32>,
    %get3A_12 = arith.constant 0 : index
    %get3A_13 = arith.constant 0 : index
    %get3A_14 = vector.load %arg3[%get3A_12, %get3A_13] : memref<4096x128xf32, #tpu.memory_space<vmem>>, vector<4096x128xf32>
    %transpose3A_15 = tpu.transpose %get3A_14, [1, 0] : vector<4096x128xf32> -> vector<128x4096xf32>
    %swap3A_16 = arith.constant 131 : index
    %swap3A_17 = arith.constant 0 : index
    %swap3A_18 = vector.load %arg5[%swap3A_16, %swap3A_17] : memref<262x4096xf32, #tpu.memory_space<vmem>>, vector<128x4096xf32>
    tpu.vector_store %arg5[%swap3A_16, %swap3A_17], %transpose3A_15 {strides = array<i32>} : memref<262x4096xf32, #tpu.memory_space<vmem>>, vector<128x4096xf32>,
    %get3A_19 = arith.constant 0 : index
    %get3A_20 = arith.constant 0 : index
    %get3A_21 = arith.constant 0 : index
    %get3A_22 = vector.load %arg4[%get3A_19, %get3A_20, %get3A_21] : memref<1x3x4096xf32, #tpu.memory_space<vmem>>, vector<1x3x4096xf32>
    %get3A_23 = vector.shape_cast %get3A_22 : vector<1x3x4096xf32> to vector<3x4096xf32>
    %swap3A_24 = arith.constant 259 : index
    %swap3A_25 = arith.constant 0 : index
    %swap3A_26 = vector.load %arg5[%swap3A_24, %swap3A_25] : memref<262x4096xf32, #tpu.memory_space<vmem>>, vector<3x4096xf32>
    tpu.vector_store %arg5[%swap3A_24, %swap3A_25], %get3A_23 {strides = array<i32>} : memref<262x4096xf32, #tpu.memory_space<vmem>>, vector<3x4096xf32>,
    return
  }
  func.func @transform_0(%arg0: i32) -> (i32, i32) {
    %c0_i32 = arith.constant 0 : i32
    %c0_i32_0 = arith.constant 0 : i32
    return %arg0, %c0_i32 : i32, i32
  }
  func.func @transform_1(%arg0: i32) -> (i32, i32, i32) {
    %jit3A = arith.constant 1 : i32
    %div3A = arith.divsi %arg0, %jit3A : i32
    %sign3A = arith.constant 0 : i32
    %sign3A_0 = arith.cmpi sgt, %arg0, %sign3A : i32
    %sign3A_1 = arith.extui %sign3A_0 : i1 to i32
    %sign3A_2 = arith.constant 0 : i32
    %sign3A_3 = arith.cmpi slt, %arg0, %sign3A_2 : i32
    %sign3A_4 = arith.extui %sign3A_3 : i1 to i32
    %sign3A_5 = arith.subi %sign3A_1, %sign3A_4 : i32
    %sign3A_6 = arith.constant 0 : i32
    %sign3A_7 = arith.cmpi sgt, %jit3A, %sign3A_6 : i32
    %sign3A_8 = arith.extui %sign3A_7 : i1 to i32
    %sign3A_9 = arith.constant 0 : i32
    %sign3A_10 = arith.cmpi slt, %jit3A, %sign3A_9 : i32
    %sign3A_11 = arith.extui %sign3A_10 : i1 to i32
    %sign3A_12 = arith.subi %sign3A_8, %sign3A_11 : i32
    %ne3A = arith.cmpi ne, %sign3A_5, %sign3A_12 : i32
    %rem3A = arith.remsi %arg0, %jit3A : i32
    %ne3A_13 = arith.constant 0 : i32
    %ne3A_14 = arith.cmpi ne, %rem3A, %ne3A_13 : i32
    %and3A = arith.andi %ne3A, %ne3A_14 : i1
    %sub3A = arith.constant 1 : i32
    %sub3A_15 = arith.subi %div3A, %sub3A : i32
    %select_n3A = arith.select %and3A, %sub3A_15, %div3A : i32
    %jit3A_16 = arith.constant 1 : i32
    %eq3A = arith.constant 0 : i32
    %eq3A_17 = arith.cmpi eq, %jit3A_16, %eq3A : i32
    %jit3A_18 = arith.constant 1 : i32
    %select_n3A_19 = arith.select %eq3A_17, %jit3A_18, %jit3A_16 : i32
    %rem3A_20 = arith.remsi %arg0, %select_n3A_19 : i32
    %ne3A_21 = arith.constant 0 : i32
    %ne3A_22 = arith.cmpi ne, %rem3A_20, %ne3A_21 : i32
    %lt3A = arith.constant 0 : i32
    %lt3A_23 = arith.cmpi slt, %rem3A_20, %lt3A : i32
    %lt3A_24 = arith.constant 0 : i32
    %lt3A_25 = arith.cmpi slt, %select_n3A_19, %lt3A_24 : i32
    %ne3A_26 = arith.xori %lt3A_23, %lt3A_25 : i1
    %and3A_27 = arith.andi %ne3A_26, %ne3A_22 : i1
    %add3A = arith.addi %rem3A_20, %select_n3A_19 : i32
    %select_n3A_28 = arith.select %and3A_27, %add3A, %rem3A_20 : i32
    %c0_i32 = arith.constant 0 : i32
    %c0_i32_29 = arith.constant 0 : i32
    return %select_n3A, %c0_i32, %select_n3A_28 : i32, i32, i32
  }
  func.func @transform_2(%arg0: i32) -> (i32, i32) {
    %c0_i32 = arith.constant 0 : i32
    %c0_i32_0 = arith.constant 0 : i32
    return %arg0, %c0_i32 : i32, i32
  }
  func.func @transform_3(%arg0: i32) -> (i32, i32, i32) {
    %jit3A = arith.constant 1 : i32
    %div3A = arith.divsi %arg0, %jit3A : i32
    %sign3A = arith.constant 0 : i32
    %sign3A_0 = arith.cmpi sgt, %arg0, %sign3A : i32
    %sign3A_1 = arith.extui %sign3A_0 : i1 to i32
    %sign3A_2 = arith.constant 0 : i32
    %sign3A_3 = arith.cmpi slt, %arg0, %sign3A_2 : i32
    %sign3A_4 = arith.extui %sign3A_3 : i1 to i32
    %sign3A_5 = arith.subi %sign3A_1, %sign3A_4 : i32
    %sign3A_6 = arith.constant 0 : i32
    %sign3A_7 = arith.cmpi sgt, %jit3A, %sign3A_6 : i32
    %sign3A_8 = arith.extui %sign3A_7 : i1 to i32
    %sign3A_9 = arith.constant 0 : i32
    %sign3A_10 = arith.cmpi slt, %jit3A, %sign3A_9 : i32
    %sign3A_11 = arith.extui %sign3A_10 : i1 to i32
    %sign3A_12 = arith.subi %sign3A_8, %sign3A_11 : i32
    %ne3A = arith.cmpi ne, %sign3A_5, %sign3A_12 : i32
    %rem3A = arith.remsi %arg0, %jit3A : i32
    %ne3A_13 = arith.constant 0 : i32
    %ne3A_14 = arith.cmpi ne, %rem3A, %ne3A_13 : i32
    %and3A = arith.andi %ne3A, %ne3A_14 : i1
    %sub3A = arith.constant 1 : i32
    %sub3A_15 = arith.subi %div3A, %sub3A : i32
    %select_n3A = arith.select %and3A, %sub3A_15, %div3A : i32
    %jit3A_16 = arith.constant 1 : i32
    %eq3A = arith.constant 0 : i32
    %eq3A_17 = arith.cmpi eq, %jit3A_16, %eq3A : i32
    %jit3A_18 = arith.constant 1 : i32
    %select_n3A_19 = arith.select %eq3A_17, %jit3A_18, %jit3A_16 : i32
    %rem3A_20 = arith.remsi %arg0, %select_n3A_19 : i32
    %ne3A_21 = arith.constant 0 : i32
    %ne3A_22 = arith.cmpi ne, %rem3A_20, %ne3A_21 : i32
    %lt3A = arith.constant 0 : i32
    %lt3A_23 = arith.cmpi slt, %rem3A_20, %lt3A : i32
    %lt3A_24 = arith.constant 0 : i32
    %lt3A_25 = arith.cmpi slt, %select_n3A_19, %lt3A_24 : i32
    %ne3A_26 = arith.xori %lt3A_23, %lt3A_25 : i1
    %and3A_27 = arith.andi %ne3A_26, %ne3A_22 : i1
    %add3A = arith.addi %rem3A_20, %select_n3A_19 : i32
    %select_n3A_28 = arith.select %and3A_27, %add3A, %rem3A_20 : i32
    %c0_i32 = arith.constant 0 : i32
    %c0_i32_29 = arith.constant 0 : i32
    return %select_n3A, %c0_i32, %select_n3A_28 : i32, i32, i32
  }
  func.func @transform_4(%arg0: i32) -> (i32, i32) {
    %c0_i32 = arith.constant 0 : i32
    %c0_i32_0 = arith.constant 0 : i32
    return %c0_i32, %arg0 : i32, i32
  }
}

module attributes {stable_mosaic.version = 14 : i64} {
  func.func @_argmin_body(%arg0: i32, %arg1: i32, %arg2: memref<1x3x2048xf32, #tpu.memory_space<vmem>>, %arg3: memref<1x1024x3xf32, #tpu.memory_space<vmem>>, %arg4: memref<2048xi32, #tpu.memory_space<vmem>>, %arg5: memref<1x3x2048xf32, #tpu.memory_space<vmem>>) attributes {dimension_semantics = [#tpu.dimension_semantics<arbitrary>, #tpu.dimension_semantics<arbitrary>], iteration_bounds = array<i64: 8, 2>, scalar_prefetch = 0 : i64, scratch_operands = 0 : i64, tpu.core_type = #tpu.core_type<tc>, window_params = [{transform_indices = @transform_0, window_bounds = array<i64: 1, 3, 2048>}, {transform_indices = @transform_1, window_bounds = array<i64: 1, 1024, 3>}, {transform_indices = @transform_2, window_bounds = array<i64: 2048>}, {transform_indices = @transform_3, window_bounds = array<i64: 1, 3, 2048>}]} {
    %get3A = arith.constant 0 : index
    %get3A_0 = arith.constant 0 : index
    %get3A_1 = arith.constant 0 : index
    %get3A_2 = vector.load %arg2[%get3A, %get3A_0, %get3A_1] : memref<1x3x2048xf32, #tpu.memory_space<vmem>>, vector<1x3x2048xf32>
    %get3A_3 = vector.shape_cast %get3A_2 : vector<1x3x2048xf32> to vector<3x2048xf32>
    %get3A_4 = arith.constant 0 : index
    %get3A_5 = arith.constant 0 : index
    %get3A_6 = arith.constant 0 : index
    %get3A_7 = vector.load %arg3[%get3A_4, %get3A_5, %get3A_6] : memref<1x1024x3xf32, #tpu.memory_space<vmem>>, vector<1x1024x3xf32>
    %get3A_8 = vector.shape_cast %get3A_7 : vector<1x1024x3xf32> to vector<1024x3xf32>
    %mul3A = arith.mulf %get3A_3, %get3A_3 : vector<3x2048xf32>
    %reduce_sum3A = arith.constant dense<0.000000e+00> : vector<2048xf32>
    %reduce_sum3A_9 = vector.multi_reduction <add>, %mul3A, %reduce_sum3A [0] : vector<3x2048xf32> to vector<2048xf32>
    %broadcast_in_dim3A = vector.shape_cast %reduce_sum3A_9 : vector<2048xf32> to vector<1x2048xf32>
    %mul3A_10 = arith.mulf %get3A_8, %get3A_8 : vector<1024x3xf32>
    %reduce_sum3A_11 = arith.constant dense<0.000000e+00> : vector<1024xf32>
    %reduce_sum3A_12 = vector.multi_reduction <add>, %mul3A_10, %reduce_sum3A_11 [1] : vector<1024x3xf32> to vector<1024xf32>
    %broadcast_in_dim3A_13 = vector.shape_cast %reduce_sum3A_12 : vector<1024xf32> to vector<1024x1xf32>
    %dot_general3A = arith.constant dense<0.000000e+00> : vector<1024x2048xf32>
    %dot_general3A_14 = tpu.matmul %get3A_8, %get3A_3, %dot_general3A {dimension_numbers = #tpu.dot_dimension_numbers<[1], [0], [0], [1], [0, 0, 1, 1], [], []>, transpose_lhs_hint = false} : vector<1024x3xf32>, vector<3x2048xf32>, vector<1024x2048xf32> -> vector<1024x2048xf32>
    %add3A = vector.broadcast %broadcast_in_dim3A : vector<1x2048xf32> to vector<1024x2048xf32>
    %add3A_15 = vector.broadcast %broadcast_in_dim3A_13 : vector<1024x1xf32> to vector<1024x2048xf32>
    %add3A_16 = arith.addf %add3A, %add3A_15 : vector<1024x2048xf32>
    %mul3A_17 = arith.constant 2.000000e+00 : f32
    %mul3A_18 = vector.broadcast %mul3A_17 : f32 to vector<1024x2048xf32>
    %mul3A_19 = arith.mulf %mul3A_18, %dot_general3A_14 : vector<1024x2048xf32>
    %sub3A = arith.subf %add3A_16, %mul3A_19 : vector<1024x2048xf32>
    %argmin3A = tpu.reduce_index %sub3A {axis = 0 : i32, kind = #tpu.reduction_kind<arg_min>} : vector<1024x2048xf32> -> vector<2048xi32>
    %mul3A_20 = arith.constant 1024 : i32
    %mul3A_21 = arith.muli %arg0, %mul3A_20 : i32
    %add3A_22 = vector.broadcast %mul3A_21 : i32 to vector<2048xi32>
    %add3A_23 = arith.addi %argmin3A, %add3A_22 : vector<2048xi32>
    %swap3A = arith.constant 0 : index
    %swap3A_24 = vector.load %arg4[%swap3A] : memref<2048xi32, #tpu.memory_space<vmem>>, vector<2048xi32>
    tpu.vector_store %arg4[%swap3A], %add3A_23 {strides = array<i32>} : memref<2048xi32, #tpu.memory_space<vmem>>, vector<2048xi32>,
    %iota3A = tpu.iota {dimensions = array<i32: 0>} : vector<1024x2048xi32>
    %broadcast_in_dim3A_25 = vector.shape_cast %argmin3A : vector<2048xi32> to vector<1x2048xi32>
    %eq3A = vector.broadcast %broadcast_in_dim3A_25 : vector<1x2048xi32> to vector<1024x2048xi32>
    %eq3A_26 = arith.cmpi eq, %iota3A, %eq3A : vector<1024x2048xi32>
    %convert_element_type3A = arith.extui %eq3A_26 : vector<1024x2048xi1> to vector<1024x2048xi32>
    %convert_element_type3A_27 = arith.sitofp %convert_element_type3A : vector<1024x2048xi32> to vector<1024x2048xf32>
    %convert_element_type3A_28 = arith.truncf %convert_element_type3A_27 : vector<1024x2048xf32> to vector<1024x2048xbf16>
    %convert_element_type3A_29 = arith.truncf %get3A_8 : vector<1024x3xf32> to vector<1024x3xbf16>
    %dot_general3A_30 = arith.constant dense<0.000000e+00> : vector<3x2048xf32>
    %dot_general3A_31 = tpu.matmul %convert_element_type3A_29, %convert_element_type3A_28, %dot_general3A_30 {dimension_numbers = #tpu.dot_dimension_numbers<[0], [0], [1], [1], [0, 1, 1, 1], [], []>, transpose_lhs_hint = false} : vector<1024x3xbf16>, vector<1024x2048xbf16>, vector<3x2048xf32> -> vector<3x2048xf32>
    %swap3A_32 = arith.constant 0 : index
    %swap3A_33 = arith.constant 0 : index
    %swap3A_34 = arith.constant 0 : index
    %swap3A_35 = vector.load %arg5[%swap3A_32, %swap3A_33, %swap3A_34] : memref<1x3x2048xf32, #tpu.memory_space<vmem>>, vector<1x3x2048xf32>
    %swap3A_36 = vector.shape_cast %swap3A_35 : vector<1x3x2048xf32> to vector<3x2048xf32>
    %swap3A_37 = vector.shape_cast %dot_general3A_31 : vector<3x2048xf32> to vector<1x3x2048xf32>
    tpu.vector_store %arg5[%swap3A_32, %swap3A_33, %swap3A_34], %swap3A_37 {strides = array<i32>} : memref<1x3x2048xf32, #tpu.memory_space<vmem>>, vector<1x3x2048xf32>,
    return
  }
  func.func @transform_0(%arg0: i32, %arg1: i32) -> (i32, i32, i32) {
    %c0_i32 = arith.constant 0 : i32
    %c0_i32_0 = arith.constant 0 : i32
    return %arg0, %c0_i32, %arg1 : i32, i32, i32
  }
  func.func @transform_1(%arg0: i32, %arg1: i32) -> (i32, i32, i32) {
    %c0_i32 = arith.constant 0 : i32
    %c0_i32_0 = arith.constant 0 : i32
    %c0_i32_1 = arith.constant 0 : i32
    return %arg0, %c0_i32, %c0_i32_0 : i32, i32, i32
  }
  func.func @transform_2(%arg0: i32, %arg1: i32) -> i32 {
    %mul3A = arith.constant 2 : i32
    %mul3A_0 = arith.muli %arg0, %mul3A : i32
    %add3A = arith.addi %mul3A_0, %arg1 : i32
    %c0_i32 = arith.constant 0 : i32
    return %add3A : i32
  }
  func.func @transform_3(%arg0: i32, %arg1: i32) -> (i32, i32, i32) {
    %c0_i32 = arith.constant 0 : i32
    %c0_i32_0 = arith.constant 0 : i32
    return %arg0, %c0_i32, %arg1 : i32, i32, i32
  }
}

</mosaic_0001>

<sc_bundles>
// kernel: _upsample.5.cloned.1.call-start
scs
__scs_entry_jumppad:
0x0: {  	(pc) =	sbr.rel $0x88, $3  }
0x1: {  	(tag) =	ssettag $0x0;
	lr =	simm.s32 $0x1  }
0x2: {  	[smem:$0x3F9D] =	sst lr;
	_ =	strace $0xD0000000  }
0x3: {  	_ = 	snop  }
0x4: {  	_ = 	snop  }
0x5: {  	_ = 	snop  }
0x6: {  	_ = 	snop  }
0x7: {  	_ = 	snop  }
__scs_overlays_trampoline_lowered:
0x8: {  	[smem:$0x3FAC] =	sst s0  }
0x9: {  	[smem:$0x3FAD] =	sst s1  }
0xa: {  	[smem:$0x3FAE] =	sst s2  }
0xb: {  	[smem:$0x3FAF] =	sst s3  }
0xc: {  	[smem:$0x3FB0] =	sst s4  }
0xd: {  	[smem:$0x3FB1] =	sst s5  }
0xe: {  	[smem:$0x3FB2] =	sst s6  }
0xf: {  	[smem:$0x3FB3] =	sst s7  }
0x10: {  	[smem:$0x3FB4] =	sst s8  }
0x11: {  	[smem:$0x3FB5] =	sst s9;
	s0 =	simm.s32 @!p0 $0x0  }
0x12: {  	s1 =	sld [smem:$0x3F9B];
	s0 =	simm.s32 @p0 $0x1  }
0x13: {  	[smem:$0x3FB6] =	sst s0;
	s0 =	simm.s32 @!p1 $0x0  }
0x14: {  	s2 =	sld [smem:$0x3F9A];
	s0 =	simm.s32 @p1 $0x1  }
0x15: {  	[smem:$0x3FB7] =	sst s0;
	s0 =	simm.s32 @!p2 $0x0  }
0x16: {  	s3 =	sld [smem:$0x3FDB];
	s0 =	simm.s32 @p2 $0x1  }
0x17: {  	s4 =	simm.s32 $0x1BF5;
	[smem:$0x3FB9] =	sst s0  }
0x18: {  	s0 =	sld [smem:$0x3F9C];
	_ =	swait.ge [sflag:s4], $0x0  }
0x19: {  	s7 =	sld [smem:$0x3F9D]  }
0x1a: {  	s8 =	sadd.s32 $0xFFFFE003, lr  }
0x1b: {  	s9 =	sadd.s32 $0xFFFFFEF7, lr;
	s5 =	simm.s32 $0xFFFFFFFF;
	p2 =	slt.u32 s8, $0xFFFFF086  }
0x1c: {  	p1 =	slt.u32 s9, $0xF7A;
	s5 =	simm.s32 @!p2 $0x0  }
0x1d: {  	s5 =	simm.s32 @p1 $0x1;
	p0 =	seq.s32 s7, s2  }
0x1e: {  	s7 =	smul.u32 @!p0 $0xF7A, s2;
	p2 =	seq.s32 @!p0 s5, $0x0  }
0x1f: {  	s9 =	smul.u32 $0xF7A, s1;
	s8 =	simm.s32 @!p0 $0x1BF5;
	p2 =	por !p2, p0  }
0x20: {  	[sflag:s8] =	ssyncset.s32 @!p0 $0xFFFFF086;
	s6 =	sadd.s32 @!p0 s3, s7;
	s7 =	simm.s32 @!p0 $0x108  }
0x21: {  	s3 =	sadd.s32 s3, s9;
	s6 =	sadd.s32 @!p0 $0x88, s6;
	s7 =	simm.s32 @p2 $0x1082  }
0x22: {  	[simem:s7], [sflag:s8] =	dma.local @!p0 [hbm:s6], $0xF7A  }
0x23: {  	s9 =	sor.u32 $0xD0000000, s2;
	s6 =	simm.s32 $0x108;
	_ =	swait.ge @!p0 [sflag:s8], $0x0  }
0x24: {  	s3 =	sadd.s32 $0x88, s3;
	s6 =	simm.s32 @!p1 $0x1082;
	[sflag:s4] =	ssyncset.s32 $0xFFFFF086  }
0x25: {  	[simem:s6], [sflag:s4] =	dma.local [hbm:s3], $0xF7A  }
0x26: {  	[smem:$0x3F9D] =	sst s1;
	(tag) =	ssettag s2;
	_ =	strace s9  }
0x27: {  	s1 =	sld [smem:$0x3FAD]  }
0x28: {  	s2 =	sld [smem:$0x3FAE]  }
0x29: {  	s4 =	sld [smem:$0x3FB0]  }
0x2a: {  	p0 =	seq.s32 s5, $0x0;
	s5 =	sld [smem:$0x3FB1]  }
0x2b: {  	s6 =	sld [smem:$0x3FB2]  }
0x2c: {  	s7 =	sld [smem:$0x3FB3]  }
0x2d: {  	s3 =	simm.s32 $0x108;
	s8 =	sld [smem:$0x3FB4]  }
0x2e: {  	s3 =	simm.s32 @!p0 $0x1082;
	s9 =	sld [smem:$0x3FB5]  }
0x2f: {  	lr =	sadd.s32 s0, s3;
	s0 =	sld [smem:$0x3FAC]  }
0x30: {  	s3 =	sld [smem:$0x3FAF]  }
0x31: {  	[smem:$0x3FB8] =	sst s10  }
0x32: {  	s10 =	sld [smem:$0x3FB6];
	_ =	sdelay $0x3  }
0x33: {  	p0 =	seq.s32 s10, $0x1;
	s10 =	sld [smem:$0x3FB8];
	_ =	sdelay $0x3  }
0x34: {  	[smem:$0x3FB8] =	sst s10  }
0x35: {  	s10 =	sld [smem:$0x3FB7];
	_ =	sdelay $0x3  }
0x36: {  	p1 =	seq.s32 s10, $0x1;
	s10 =	sld [smem:$0x3FB8];
	_ =	sdelay $0x3  }
0x37: {  	[smem:$0x3FB8] =	sst s10  }
0x38: {  	s10 =	sld [smem:$0x3FB9]  }
0x39: {  	_ = 	snop;
	(pc) =	sbr.ind lr, $3  }
0x3a: {  	_ = 	snop  }
0x3b: {  	_ = 	snop  }
0x3c: {  	p2 =	seq.s32 s10, $0x1;
	s10 =	sld [smem:$0x3FB8]  }
0x3d: {  	_ =	shalt  }
0x3e: {  	_ =	shalt  }
0x3f: {  	_ =	shalt  }
0x40: {  	_ =	shalt  }
0x41: {  	_ =	shalt  }
0x42: {  	_ =	shalt  }
0x43: {  	_ =	shalt  }
0x44: {  	_ =	shalt  }
0x45: {  	_ =	shalt  }
0x46: {  	_ =	shalt  }
0x47: {  	_ =	shalt  }
0x48: {  	_ =	shalt  }
0x49: {  	_ =	shalt  }
0x4a: {  	_ =	shalt  }
0x4b: {  	_ =	shalt  }
0x4c: {  	_ =	shalt  }
0x4d: {  	_ =	shalt  }
0x4e: {  	_ =	shalt  }
0x4f: {  	_ =	shalt  }
0x50: {  	_ =	shalt  }
0x51: {  	_ =	shalt  }
0x52: {  	_ =	shalt  }
0x53: {  	_ =	shalt  }
0x54: {  	_ =	shalt  }
0x55: {  	_ =	shalt  }
0x56: {  	_ =	shalt  }
0x57: {  	_ =	shalt  }
0x58: {  	_ =	shalt  }
0x59: {  	_ =	shalt  }
0x5a: {  	_ =	shalt  }
0x5b: {  	_ =	shalt  }
0x5c: {  	_ =	shalt  }
0x5d: {  	_ =	shalt  }
0x5e: {  	_ =	shalt  }
0x5f: {  	_ =	shalt  }
0x60: {  	_ =	shalt  }
0x61: {  	_ =	shalt  }
0x62: {  	_ =	shalt  }
0x63: {  	_ =	shalt  }
0x64: {  	_ =	shalt  }
0x65: {  	_ =	shalt  }
0x66: {  	_ =	shalt  }
0x67: {  	_ =	shalt  }
0x68: {  	_ =	shalt  }
0x69: {  	_ =	shalt  }
0x6a: {  	_ =	shalt  }
0x6b: {  	_ =	shalt  }
0x6c: {  	_ =	shalt  }
0x6d: {  	_ =	shalt  }
0x6e: {  	_ =	shalt  }
0x6f: {  	_ =	shalt  }
0x70: {  	_ =	shalt  }
0x71: {  	_ =	shalt  }
0x72: {  	_ =	shalt  }
0x73: {  	_ =	shalt  }
0x74: {  	_ =	shalt  }
0x75: {  	_ =	shalt  }
0x76: {  	_ =	shalt  }
0x77: {  	_ =	shalt  }
0x78: {  	_ =	shalt  }
0x79: {  	_ =	shalt  }
0x7a: {  	_ =	shalt  }
0x7b: {  	_ =	shalt  }
0x7c: {  	_ =	shalt  }
0x7d: {  	_ =	shalt  }
0x7e: {  	_ =	shalt  }
0x7f: {  	_ =	shalt  }
0x80: {  	_ =	shalt  }
0x81: {  	_ =	shalt  }
0x82: {  	_ =	shalt  }
0x83: {  	_ =	shalt  }
0x84: {  	_ =	shalt  }
0x85: {  	_ =	shalt  }
0x86: {  	_ =	shalt  }
0x87: {  	_ =	shalt  }
.Lfunc_end0:
.L_simem_size_0:
called_computation_lowered:
.L_overlay_start_0:
0x88: {  	s2 =	sld [smem:$0x3FD9]  }
0x89: {  	s3 =	sld [smem:$0x3FFE];
	_ =	sdelay $0x1  }
0x8a: {  	s1 =	srdreg.scid  }
0x8b: {  	s0 =	sand.u32 $0x1, s1  }
0x8c: {  	s17 =	sshll.u32 s0, $0xA;
	s2 =	sadd.s32 s3, s2  }
0x8d: {  	s2 =	sadd.s32 s2, s17  }
0x8e: {  	[smem:$0x3FC4] =	sst s2  }
0x8f: {  	_ = 	snop  }
0x90: {  	s2 =	sld [smem:$0x3FC7]  }
0x91: {  	s18 =	sld [smem:$0x3FD0];
	(tm) =	ssettm $0x1  }
0x92: {  	s4 =	sld [smem:$0x3FFB];
	_ =	sdelay $0x3  }
0x93: {  	_ =	strace s4  }
0x94: {  	s4 =	sld [smem:$0x3FFC];
	_ =	sdelay $0x3  }
0x95: {  	_ =	strace s4  }
0x96: {  	s4 =	sld [smem:$0x3FFD];
	_ =	sdelay $0x3  }
0x97: {  	_ =	strace s4  }
0x98: {  	_ =	strace $0x8FFFFFFF  }
0x99: {  	s19 =	sld [smem:$0x3FDB];
	_ =	sdelay $0x1  }
0x9a: {  	s5 =	simm.s32 $_scs_section_size  }
0x9b: {  	s6 =	simm.s32 $_size__tile_overlayer_lowered;
	s7 =	simm.s32 $_tile_overlayer_lowered  }
0x9c: {  	s22 =	simm.s32 $0x1BFF;
	s21 =	sshll.u32 s7, $0x1;
	s4 =	sadd.s32 s5, s19  }
0x9d: {  	s8 =	simm.s32 $0x0;
	s20 =	sshll.u32 s6, $0x1;
	s6 =	sadd.s32 s21, s4  }
0x9e: {  	[timem:s8], [sflag:s22] =	dma.local [hbm:s6], s20  }
0x9f: {  	_ =	swait.ge [sflag:s22], s20  }
0xa0: {  	s5 =	ssub.s32 $0x0, s20;
	[sflag:s22] =	ssyncset.done $0x0  }
0xa1: {  	[sflag:s22] =	ssyncadd.s32 s5;
	_ =	sdelay $0x1  }
0xa2: {  	s23 =	simm.s32 $0x1B8B  }
0xa3: {  	_ =	swait.ge [sflag:s23], $0x1  }
0xa4: {  	[sflag:s23] =	ssyncset.done $0x0  }
0xa5: {  	s25 =	simm.s32 $0x1B8E;
	s24 =	sld [smem:$0x3FFE];
	[sflag:s23] =	ssyncadd.s32 $0xFFFFFFFF  }
0xa6: {  	s26 =	simm.s32 $execute0_lowered;
	[smem:$0x3FD2] =	sst s25  }
0xa7: {  	s6 =	sshll.u32 s26, $0x1;
	_ =	strace $0x80000046;
	[dreg:$0x1] =	wrdreg $0xFFFFFFFF  }
0xa8: {  	s28 =	simm.s32 $_size_execute0_lowered;
	s4 =	sadd.s32 s4, s6;
	[dreg:$0x0] =	wrdreg $0x0  }
0xa9: {  	s6 =	sshll.u32 s28, $0x1;
	[dreg:$0x2] =	wrdreg s4  }
0xaa: {  	[dreg:$0x3] =	wrdreg s6  }
0xab: {  	[dreg:$0x4] =	wrdreg $0xC0  }
0xac: {  	_ =	task [dreg:s8], $0x5FFFF  }
0xad: {  	[dreg:$0x1] =	wrdreg $0xFFFFFFFF  }
0xae: {  	[dreg:$0x0] =	wrdreg $0x60  }
0xaf: {  	[dreg:$0x2] =	wrdreg s18  }
0xb0: {  	[dreg:$0x3] =	wrdreg s2  }
0xb1: {  	[dreg:$0x4] =	wrdreg s24  }
0xb2: {  	[dreg:$0x5] =	wrdreg $0x9  }
0xb3: {  	_ =	task.clear_ibuf [dreg:s8], $0x6FFFF;
	_ =	strace $0x90000046  }
0xb4: {  	s29 =	simm.s32 $0x9;
	_ =	strace $0x80000048  }
0xb5: {  	_ =	swait.ge [sflag:s29], $0x1  }
0xb6: {  	[sflag:s29] =	ssyncadd.s32 $0xFFFFFFFF  }
0xb7: {  	_ =	strace $0x90000048  }
0xb8: {  	_ =	sfence  }
0xb9: {  	s30 =	sld [smem:$0x0];
	_ =	sdelay $0x2  }
0xba: {  	s31 =	sshll.u32 s1, $0xD;
	s1 =	sshrl.u32 s1, $0x2  }
0xbb: {  	s3 =	sand.u32 $0x4000, s31;
	s1 =	sadd.s32 s1, s30  }
0xbc: {  	s0 =	sor.u32 s3, s0;
	s1 =	sshll.u32 s1, $0x11  }
0xbd: {  	s0 =	sor.u32 s1, s0  }
0xbe: {  	s0 =	sadd.s32 $0x8F2B, s0  }
0xbf: {  	[sflag:s0] =	ssyncadd.remote.s32 $0x1  }
0xc0: {  	_ =	sfence.sel $0xFFFF  }
0xc1: {  	[dreg:$0x0] =	wrdreg $0xFFFFFFFF;
	(pc) =	sbr.abs _section_cstart, $3  }
0xc2: {  	[dreg:$0x1] =	wrdreg $0xFFFFFFFF  }
0xc3: {  	_ =	task.clear_ibuf [dreg:s8], $0x2FFFF;
	_ =	strace $0x9FFFFFFF  }
0xc4: {  	(tm) =	ssettm $0x7FFFFFFF  }
0xc5: {  	_ =	shalt  }
tec
execute0_lowered:
.L_overlay_start_1:
0x0: {  	(tag) =	ssettag $0x1  }
0x1: {  	s23 =	rddreg [dreg:$0x0];
	s1 =	srdreg.scid  }
0x2: {  	s2 =	rddreg [dreg:$0x1];
	s0 =	stileid.u32;
	s25 =	sand.u32 $0x1, s1  }
0x3: {  	s11 =	rddreg [dreg:$0x2];
	s4 =	sshll.u32 s0, $0xB;
	s5 =	sshll.u32 s25, $0xA  }
0x4: {  	s3 =	simm.s32 $0x0;
	s1 =	rddreg [dreg:$0x3];
	s24 =	sor.u32 s5, s4  }
0x5: {  	[smem:$0x7FF] =	sst s3;
	s4 =	sshrl.u32 s24, $0x3  }
0x6: {  	_ =	strace $0x80000047;
	s5 =	sadd.s32 s23, s4;
	s4 =	simm.s32 $0x3  }
0x7: {  	[tilespmem:s3], [sflag:$0x3] =	stream.linear.gather [hbm4b:s5+s3], $0x80, $0x38;
	[tilespmem:$0x8100] =	vst v63  }
0x8: {  	_ =	swait.ge [sflag:s4], $0x80  }
0x9: {  	s6 =	simm.s32 $0x80;
	s14 =	sor.u32 $0x80, s24;
	[sflag:s4] =	ssyncset.done $0x0  }
0xa: {  	s7 =	simm.s32 $0x100;
	s8 =	sshrl.u32 s14, $0x3;
	[sflag:s4] =	ssyncadd.s32 $0xFFFFFF80  }
0xb: {  	[tilespmem:s7], [sflag:$0x1] =	stream.indirect.gather [hbm4b:s2+s6], $0x80, s3, s6, $0xb8;
	[tilespmem:$0x8100] =	vst v63  }
0xc: {  	s8 =	sadd.s32 s23, s8  }
0xd: {  	[tilespmem:s6], [sflag:$0x3] =	stream.linear.gather [hbm4b:s8+s3], $0x80, $0x38;
	[tilespmem:$0x8100] =	vst v63  }
0xe: {  	_ =	swait.ge [sflag:s4], $0x80  }
0xf: {  	[sflag:s4] =	ssyncset.done $0x0  }
0x10: {  	s9 =	simm.s32 $0x4100;
	s10 =	simm.s32 $0x1;
	[sflag:s4] =	ssyncadd.s32 $0xFFFFFF80  }
0x11: {  	[tilespmem:s9], [sflag:$0x2] =	stream.indirect.gather [hbm4b:s2+s6], $0x80, s6, s6, $0xb8;
	[tilespmem:$0x8100] =	vst v63  }
0x12: {  	_ =	swait.ge [sflag:s10], $0x4000  }
0x13: {  	s26 =	sadd.s32 $0x1C00, s11;
	s29 =	sshll.u32 s24, $0x4;
	[sflag:s10] =	ssyncset.done $0x0  }
0x14: {  	s11 =	sadd.s32 s26, s29;
	[sflag:s10] =	ssyncadd.s32 $0xFFFFC000  }
0x15: {  	[hbm4b:s11+s3] =	stream.linear.scatter [tilespmem:s7], [sflag:$0x3], $0x4000, $0x38;
	[tilespmem:$0x8100] =	vst v63  }
0x16: {  	_ =	swait.ge [sflag:s4], $0x4000  }
0x17: {  	[sflag:s4] =	ssyncset.done $0x0  }
0x18: {  	s12 =	sadd.s32 $0x20, s5;
	[sflag:s4] =	ssyncadd.s32 $0xFFFFC000  }
0x19: {  	[tilespmem:s3], [sflag:$0x3] =	stream.linear.gather [hbm4b:s12+s3], $0x80, $0x38;
	[tilespmem:$0x8100] =	vst v63  }
0x1a: {  	_ =	swait.ge [sflag:s4], $0x80  }
0x1b: {  	[sflag:s4] =	ssyncset.done $0x0  }
0x1c: {  	s13 =	simm.s32 $0x2;
	[sflag:s4] =	ssyncadd.s32 $0xFFFFFF80  }
0x1d: {  	[tilespmem:s7], [sflag:$0x1] =	stream.indirect.gather [hbm4b:s2+s6], $0x80, s3, s6, $0xb8;
	[tilespmem:$0x8100] =	vst v63  }
0x1e: {  	_ =	swait.ge [sflag:s13], $0x4000  }
0x1f: {  	s14 =	sshll.u32 s14, $0x4;
	[sflag:s13] =	ssyncset.done $0x0  }
0x20: {  	s14 =	sadd.s32 s26, s14;
	[sflag:s13] =	ssyncadd.s32 $0xFFFFC000  }
0x21: {  	[hbm4b:s14+s3] =	stream.linear.scatter [tilespmem:s9], [sflag:$0x3], $0x4000, $0x38;
	[tilespmem:$0x8100] =	vst v63  }
0x22: {  	s18 =	sor.u32 $0x180, s24;
	_ =	swait.ge [sflag:s4], $0x4000  }
0x23: {  	s15 =	sshrl.u32 s18, $0x3;
	[sflag:s4] =	ssyncset.done $0x0  }
0x24: {  	s15 =	sadd.s32 s23, s15;
	[sflag:s4] =	ssyncadd.s32 $0xFFFFC000  }
0x25: {  	[tilespmem:s6], [sflag:$0x3] =	stream.linear.gather [hbm4b:s15+s3], $0x80, $0x38;
	[tilespmem:$0x8100] =	vst v63  }
0x26: {  	_ =	swait.ge [sflag:s4], $0x80  }
0x27: {  	[sflag:s4] =	ssyncset.done $0x0  }
0x28: {  	[sflag:s4] =	ssyncadd.s32 $0xFFFFFF80  }
0x29: {  	[tilespmem:s9], [sflag:$0x2] =	stream.indirect.gather [hbm4b:s2+s6], $0x80, s6, s6, $0xb8;
	[tilespmem:$0x8100] =	vst v63  }
0x2a: {  	_ =	swait.ge [sflag:s10], $0x4000  }
0x2b: {  	[sflag:s10] =	ssyncset.done $0x0  }
0x2c: {  	s16 =	sadd.s32 $0x1000, s11;
	[sflag:s10] =	ssyncadd.s32 $0xFFFFC000  }
0x2d: {  	[hbm4b:s16+s3] =	stream.linear.scatter [tilespmem:s7], [sflag:$0x3], $0x4000, $0x38;
	[tilespmem:$0x8100] =	vst v63  }
0x2e: {  	_ =	swait.ge [sflag:s4], $0x4000  }
0x2f: {  	[sflag:s4] =	ssyncset.done $0x0  }
0x30: {  	s17 =	sadd.s32 $0x40, s5;
	[sflag:s4] =	ssyncadd.s32 $0xFFFFC000  }
0x31: {  	[tilespmem:s3], [sflag:$0x3] =	stream.linear.gather [hbm4b:s17+s3], $0x80, $0x38;
	[tilespmem:$0x8100] =	vst v63  }
0x32: {  	_ =	swait.ge [sflag:s4], $0x80  }
0x33: {  	[sflag:s4] =	ssyncset.done $0x0  }
0x34: {  	[sflag:s4] =	ssyncadd.s32 $0xFFFFFF80  }
0x35: {  	[tilespmem:s7], [sflag:$0x1] =	stream.indirect.gather [hbm4b:s2+s6], $0x80, s3, s6, $0xb8;
	[tilespmem:$0x8100] =	vst v63  }
0x36: {  	_ =	swait.ge [sflag:s13], $0x4000  }
0x37: {  	s18 =	sshll.u32 s18, $0x4;
	[sflag:s13] =	ssyncset.done $0x0  }
0x38: {  	s18 =	sadd.s32 s26, s18;
	[sflag:s13] =	ssyncadd.s32 $0xFFFFC000  }
0x39: {  	[hbm4b:s18+s3] =	stream.linear.scatter [tilespmem:s9], [sflag:$0x3], $0x4000, $0x38;
	[tilespmem:$0x8100] =	vst v63  }
0x3a: {  	s22 =	sor.u32 $0x280, s24;
	_ =	swait.ge [sflag:s4], $0x4000  }
0x3b: {  	s19 =	sshrl.u32 s22, $0x3;
	[sflag:s4] =	ssyncset.done $0x0  }
0x3c: {  	s19 =	sadd.s32 s23, s19;
	[sflag:s4] =	ssyncadd.s32 $0xFFFFC000  }
0x3d: {  	[tilespmem:s6], [sflag:$0x3] =	stream.linear.gather [hbm4b:s19+s3], $0x80, $0x38;
	[tilespmem:$0x8100] =	vst v63  }
0x3e: {  	_ =	swait.ge [sflag:s4], $0x80  }
0x3f: {  	[sflag:s4] =	ssyncset.done $0x0  }
0x40: {  	[sflag:s4] =	ssyncadd.s32 $0xFFFFFF80  }
0x41: {  	[tilespmem:s9], [sflag:$0x2] =	stream.indirect.gather [hbm4b:s2+s6], $0x80, s6, s6, $0xb8;
	[tilespmem:$0x8100] =	vst v63  }
0x42: {  	_ =	swait.ge [sflag:s10], $0x4000  }
0x43: {  	[sflag:s10] =	ssyncset.done $0x0  }
0x44: {  	s20 =	sadd.s32 $0x2000, s11;
	[sflag:s10] =	ssyncadd.s32 $0xFFFFC000  }
0x45: {  	[hbm4b:s20+s3] =	stream.linear.scatter [tilespmem:s7], [sflag:$0x3], $0x4000, $0x38;
	[tilespmem:$0x8100] =	vst v63  }
0x46: {  	_ =	swait.ge [sflag:s4], $0x4000  }
0x47: {  	[sflag:s4] =	ssyncset.done $0x0  }
0x48: {  	s21 =	sadd.s32 $0x60, s5;
	[sflag:s4] =	ssyncadd.s32 $0xFFFFC000  }
0x49: {  	[tilespmem:s3], [sflag:$0x3] =	stream.linear.gather [hbm4b:s21+s3], $0x80, $0x38;
	[tilespmem:$0x8100] =	vst v63  }
0x4a: {  	_ =	swait.ge [sflag:s4], $0x80  }
0x4b: {  	[sflag:s4] =	ssyncset.done $0x0  }
0x4c: {  	[sflag:s4] =	ssyncadd.s32 $0xFFFFFF80  }
0x4d: {  	[tilespmem:s7], [sflag:$0x1] =	stream.indirect.gather [hbm4b:s2+s6], $0x80, s3, s6, $0xb8;
	[tilespmem:$0x8100] =	vst v63  }
0x4e: {  	_ =	swait.ge [sflag:s13], $0x4000  }
0x4f: {  	s22 =	sshll.u32 s22, $0x4;
	[sflag:s13] =	ssyncset.done $0x0  }
0x50: {  	s22 =	sadd.s32 s26, s22;
	[sflag:s13] =	ssyncadd.s32 $0xFFFFC000  }
0x51: {  	[hbm4b:s22+s3] =	stream.linear.scatter [tilespmem:s9], [sflag:$0x3], $0x4000, $0x38;
	[tilespmem:$0x8100] =	vst v63  }
0x52: {  	s28 =	sor.u32 $0x380, s24;
	_ =	swait.ge [sflag:s4], $0x4000  }
0x53: {  	s24 =	sshrl.u32 s28, $0x3;
	[sflag:s4] =	ssyncset.done $0x0  }
0x54: {  	s23 =	sadd.s32 s23, s24;
	[sflag:s4] =	ssyncadd.s32 $0xFFFFC000  }
0x55: {  	[tilespmem:s6], [sflag:$0x3] =	stream.linear.gather [hbm4b:s23+s3], $0x80, $0x38;
	[tilespmem:$0x8100] =	vst v63  }
0x56: {  	_ =	swait.ge [sflag:s4], $0x80  }
0x57: {  	[sflag:s4] =	ssyncset.done $0x0  }
0x58: {  	[sflag:s4] =	ssyncadd.s32 $0xFFFFFF80  }
0x59: {  	[tilespmem:s9], [sflag:$0x2] =	stream.indirect.gather [hbm4b:s2+s6], $0x80, s6, s6, $0xb8;
	[tilespmem:$0x8100] =	vst v63  }
0x5a: {  	_ =	swait.ge [sflag:s10], $0x4000  }
0x5b: {  	[sflag:s10] =	ssyncset.done $0x0  }
0x5c: {  	s25 =	ssub.s32 $0x2, s25;
	s24 =	sadd.s32 $0x3000, s11;
	[sflag:s10] =	ssyncadd.s32 $0xFFFFC000  }
0x5d: {  	[hbm4b:s24+s3] =	stream.linear.scatter [tilespmem:s7], [sflag:$0x3], $0x4000, $0x38;
	[tilespmem:$0x8100] =	vst v63  }
0x5e: {  	s29 =	sshrl.u32 s25, $0x1;
	_ =	swait.ge [sflag:s4], $0x4000  }
0x5f: {  	s29 =	ssub.s32 s25, s29;
	[sflag:s4] =	ssyncset.done $0x0  }
0x60: {  	s31 =	smax.u32 s29, $0x1;
	[sflag:s4] =	ssyncadd.s32 $0xFFFFC000  }
0x61: {  	p0 =	sne.s32 s31, $0x1;
	_ =	swait.ge [sflag:s13], $0x4000  }
.Ltmp0:
0x62: {  	s30 =	sshll.u32 s28, $0x4;
	[sflag:s13] =	ssyncset.done $0x0;
	(pc) =	sbr.rel @!p0 .LBB2_2-.Ltmp0, $4  }
0x63: {  	s25 =	sadd.s32 s26, s30;
	[sflag:s13] =	ssyncadd.s32 $0xFFFFC000  }
0x64: {  	[hbm4b:s25+s3] =	stream.linear.scatter [tilespmem:s9], [sflag:$0x3], $0x4000, $0x38;
	[tilespmem:$0x8100] =	vst v63  }
0x65: {  	_ =	swait.ge [sflag:s4], $0x4000  }
0x66: {  	s26 =	sadd.s32 $0xFFFFFFFF, s31;
	[sflag:s4] =	ssyncset.done $0x0  }
.LBB2_1:
0x67: {  	p0 =	sne.s32 s26, $0x1;
	s26 =	sadd.s32 $0xFFFFFFFF, s26;
	[sflag:s4] =	ssyncadd.s32 $0xFFFFC000  }
0x68: {  	[tilespmem:s3], [sflag:$0x3] =	stream.linear.gather [hbm4b:s5+s3], $0x80, $0x38;
	[tilespmem:$0x8100] =	vst v63  }
0x69: {  	_ =	swait.ge [sflag:s4], $0x80  }
0x6a: {  	[sflag:s4] =	ssyncset.done $0x0  }
0x6b: {  	[sflag:s4] =	ssyncadd.s32 $0xFFFFFF80  }
0x6c: {  	[tilespmem:s7], [sflag:$0x1] =	stream.indirect.gather [hbm4b:s2+s6], $0x80, s3, s6, $0xb8;
	[tilespmem:$0x8100] =	vst v63  }
0x6d: {  	_ = 	snop  }
0x6e: {  	[tilespmem:s6], [sflag:$0x3] =	stream.linear.gather [hbm4b:s8+s3], $0x80, $0x38;
	[tilespmem:$0x8100] =	vst v63  }
0x6f: {  	_ =	swait.ge [sflag:s4], $0x80  }
0x70: {  	[sflag:s4] =	ssyncset.done $0x0  }
0x71: {  	[sflag:s4] =	ssyncadd.s32 $0xFFFFFF80  }
0x72: {  	[tilespmem:s9], [sflag:$0x2] =	stream.indirect.gather [hbm4b:s2+s6], $0x80, s6, s6, $0xb8;
	[tilespmem:$0x8100] =	vst v63  }
0x73: {  	_ =	swait.ge [sflag:s10], $0x4000  }
0x74: {  	[sflag:s10] =	ssyncset.done $0x0  }
0x75: {  	[sflag:s10] =	ssyncadd.s32 $0xFFFFC000  }
0x76: {  	[hbm4b:s11+s3] =	stream.linear.scatter [tilespmem:s7], [sflag:$0x3], $0x4000, $0x38;
	[tilespmem:$0x8100] =	vst v63  }
0x77: {  	_ =	swait.ge [sflag:s4], $0x4000  }
0x78: {  	[sflag:s4] =	ssyncset.done $0x0  }
0x79: {  	[sflag:s4] =	ssyncadd.s32 $0xFFFFC000  }
0x7a: {  	[tilespmem:s3], [sflag:$0x3] =	stream.linear.gather [hbm4b:s12+s3], $0x80, $0x38;
	[tilespmem:$0x8100] =	vst v63  }
0x7b: {  	_ =	swait.ge [sflag:s4], $0x80  }
0x7c: {  	[sflag:s4] =	ssyncset.done $0x0  }
0x7d: {  	[sflag:s4] =	ssyncadd.s32 $0xFFFFFF80  }
0x7e: {  	[tilespmem:s7], [sflag:$0x1] =	stream.indirect.gather [hbm4b:s2+s6], $0x80, s3, s6, $0xb8;
	[tilespmem:$0x8100] =	vst v63  }
0x7f: {  	_ =	swait.ge [sflag:s13], $0x4000  }
0x80: {  	[sflag:s13] =	ssyncset.done $0x0  }
0x81: {  	[sflag:s13] =	ssyncadd.s32 $0xFFFFC000  }
0x82: {  	[hbm4b:s14+s3] =	stream.linear.scatter [tilespmem:s9], [sflag:$0x3], $0x4000, $0x38;
	[tilespmem:$0x8100] =	vst v63  }
0x83: {  	_ =	swait.ge [sflag:s4], $0x4000  }
0x84: {  	[sflag:s4] =	ssyncset.done $0x0  }
0x85: {  	[sflag:s4] =	ssyncadd.s32 $0xFFFFC000  }
0x86: {  	[tilespmem:s6], [sflag:$0x3] =	stream.linear.gather [hbm4b:s15+s3], $0x80, $0x38;
	[tilespmem:$0x8100] =	vst v63  }
0x87: {  	_ =	swait.ge [sflag:s4], $0x80  }
0x88: {  	[sflag:s4] =	ssyncset.done $0x0  }
0x89: {  	[sflag:s4] =	ssyncadd.s32 $0xFFFFFF80  }
0x8a: {  	[tilespmem:s9], [sflag:$0x2] =	stream.indirect.gather [hbm4b:s2+s6], $0x80, s6, s6, $0xb8;
	[tilespmem:$0x8100] =	vst v63  }
0x8b: {  	_ =	swait.ge [sflag:s10], $0x4000  }
0x8c: {  	[sflag:s10] =	ssyncset.done $0x0  }
0x8d: {  	[sflag:s10] =	ssyncadd.s32 $0xFFFFC000  }
0x8e: {  	[hbm4b:s16+s3] =	stream.linear.scatter [tilespmem:s7], [sflag:$0x3], $0x4000, $0x38;
	[tilespmem:$0x8100] =	vst v63  }
0x8f: {  	_ =	swait.ge [sflag:s4], $0x4000  }
0x90: {  	[sflag:s4] =	ssyncset.done $0x0  }
0x91: {  	[sflag:s4] =	ssyncadd.s32 $0xFFFFC000  }
0x92: {  	[tilespmem:s3], [sflag:$0x3] =	stream.linear.gather [hbm4b:s17+s3], $0x80, $0x38;
	[tilespmem:$0x8100] =	vst v63  }
0x93: {  	_ =	swait.ge [sflag:s4], $0x80  }
0x94: {  	[sflag:s4] =	ssyncset.done $0x0  }
0x95: {  	[sflag:s4] =	ssyncadd.s32 $0xFFFFFF80  }
0x96: {  	[tilespmem:s7], [sflag:$0x1] =	stream.indirect.gather [hbm4b:s2+s6], $0x80, s3, s6, $0xb8;
	[tilespmem:$0x8100] =	vst v63  }
0x97: {  	_ =	swait.ge [sflag:s13], $0x4000  }
0x98: {  	[sflag:s13] =	ssyncset.done $0x0  }
0x99: {  	[sflag:s13] =	ssyncadd.s32 $0xFFFFC000  }
0x9a: {  	[hbm4b:s18+s3] =	stream.linear.scatter [tilespmem:s9], [sflag:$0x3], $0x4000, $0x38;
	[tilespmem:$0x8100] =	vst v63  }
0x9b: {  	_ =	swait.ge [sflag:s4], $0x4000  }
0x9c: {  	[sflag:s4] =	ssyncset.done $0x0  }
0x9d: {  	[sflag:s4] =	ssyncadd.s32 $0xFFFFC000  }
0x9e: {  	[tilespmem:s6], [sflag:$0x3] =	stream.linear.gather [hbm4b:s19+s3], $0x80, $0x38;
	[tilespmem:$0x8100] =	vst v63  }
0x9f: {  	_ =	swait.ge [sflag:s4], $0x80  }
0xa0: {  	[sflag:s4] =	ssyncset.done $0x0  }
0xa1: {  	[sflag:s4] =	ssyncadd.s32 $0xFFFFFF80  }
0xa2: {  	[tilespmem:s9], [sflag:$0x2] =	stream.indirect.gather [hbm4b:s2+s6], $0x80, s6, s6, $0xb8;
	[tilespmem:$0x8100] =	vst v63  }
0xa3: {  	_ =	swait.ge [sflag:s10], $0x4000  }
0xa4: {  	[sflag:s10] =	ssyncset.done $0x0  }
0xa5: {  	[sflag:s10] =	ssyncadd.s32 $0xFFFFC000  }
0xa6: {  	[hbm4b:s20+s3] =	stream.linear.scatter [tilespmem:s7], [sflag:$0x3], $0x4000, $0x38;
	[tilespmem:$0x8100] =	vst v63  }
0xa7: {  	_ =	swait.ge [sflag:s4], $0x4000  }
0xa8: {  	[sflag:s4] =	ssyncset.done $0x0  }
0xa9: {  	[sflag:s4] =	ssyncadd.s32 $0xFFFFC000  }
0xaa: {  	[tilespmem:s3], [sflag:$0x3] =	stream.linear.gather [hbm4b:s21+s3], $0x80, $0x38;
	[tilespmem:$0x8100] =	vst v63  }
0xab: {  	_ =	swait.ge [sflag:s4], $0x80  }
0xac: {  	[sflag:s4] =	ssyncset.done $0x0  }
0xad: {  	[sflag:s4] =	ssyncadd.s32 $0xFFFFFF80  }
0xae: {  	[tilespmem:s7], [sflag:$0x1] =	stream.indirect.gather [hbm4b:s2+s6], $0x80, s3, s6, $0xb8;
	[tilespmem:$0x8100] =	vst v63  }
0xaf: {  	_ =	swait.ge [sflag:s13], $0x4000  }
0xb0: {  	[sflag:s13] =	ssyncset.done $0x0  }
0xb1: {  	[sflag:s13] =	ssyncadd.s32 $0xFFFFC000  }
0xb2: {  	[hbm4b:s22+s3] =	stream.linear.scatter [tilespmem:s9], [sflag:$0x3], $0x4000, $0x38;
	[tilespmem:$0x8100] =	vst v63  }
0xb3: {  	_ =	swait.ge [sflag:s4], $0x4000  }
0xb4: {  	[sflag:s4] =	ssyncset.done $0x0  }
0xb5: {  	[sflag:s4] =	ssyncadd.s32 $0xFFFFC000  }
0xb6: {  	[tilespmem:s6], [sflag:$0x3] =	stream.linear.gather [hbm4b:s23+s3], $0x80, $0x38;
	[tilespmem:$0x8100] =	vst v63  }
0xb7: {  	_ =	swait.ge [sflag:s4], $0x80  }
0xb8: {  	[sflag:s4] =	ssyncset.done $0x0  }
0xb9: {  	[sflag:s4] =	ssyncadd.s32 $0xFFFFFF80  }
0xba: {  	[tilespmem:s9], [sflag:$0x2] =	stream.indirect.gather [hbm4b:s2+s6], $0x80, s6, s6, $0xb8;
	[tilespmem:$0x8100] =	vst v63  }
0xbb: {  	_ =	swait.ge [sflag:s10], $0x4000  }
0xbc: {  	[sflag:s10] =	ssyncset.done $0x0  }
0xbd: {  	[sflag:s10] =	ssyncadd.s32 $0xFFFFC000  }
0xbe: {  	[hbm4b:s24+s3] =	stream.linear.scatter [tilespmem:s7], [sflag:$0x3], $0x4000, $0x38;
	[tilespmem:$0x8100] =	vst v63  }
0xbf: {  	_ =	swait.ge [sflag:s4], $0x4000  }
0xc0: {  	[sflag:s4] =	ssyncset.done $0x0  }
0xc1: {  	[sflag:s4] =	ssyncadd.s32 $0xFFFFC000  }
0xc2: {  	_ =	swait.ge [sflag:s13], $0x4000  }
.Ltmp1:
0xc3: {  	[sflag:s13] =	ssyncset.done $0x0;
	(pc) =	sbr.rel @p0 .LBB2_1-.Ltmp1, $4  }
0xc4: {  	[sflag:s13] =	ssyncadd.s32 $0xFFFFC000  }
0xc5: {  	[hbm4b:s25+s3] =	stream.linear.scatter [tilespmem:s9], [sflag:$0x3], $0x4000, $0x38;
	[tilespmem:$0x8100] =	vst v63  }
0xc6: {  	_ =	swait.ge [sflag:s4], $0x4000  }
0xc7: {  	[sflag:s4] =	ssyncset.done $0x0  }
.LBB2_2:
0xc8: {  	[sflag:s4] =	ssyncadd.s32 $0xFFFFC000  }
0xc9: {  	_ =	sfence.sel $0x180000  }
0xca: {  	[bflag:$0x0] =	sbarrier.arrive $0xFFFF  }
0xcb: {  	p0 =	sne.s32 s0, $0x0;
	_ =	strace $0x90000047  }
0xcc: {  	s0 =	sadd.s32 @!p0 $0x100000, s1;
	[bflag:$0x2] =	sbarrier.arrive $0xFFFF  }
0xcd: {  	[sflag:s0] =	ssyncadd.tile.s32 @!p0 $0x1;
	_ =	shalt  }
.Lfunc_end2:
_tile_overlayer_lowered:
.L_overlay_start_2:
0xce: {  	(tag) =	ssettag $0x2  }
0xcf: {  	s0 =	rddreg [dreg:$0x0];
	s2 =	stileid.u32  }
0xd0: {  	s1 =	rddreg [dreg:$0x1];
	p0 =	sne.s32 s2, $0x0  }
0xd1: {  	s3 =	rddreg [dreg:$0x2];
	[bflag:$0x3] =	sbarrier.arrive $0xFFFF;
	s2 =	simm.s32 @!p0 $0x1C03  }
0xd2: {  	[timem:s3], [sflag:s2] =	dma.local @!p0 [hbm:s0], s1  }
0xd3: {  	s0 =	simm.s32 @!p0 $0x3  }
0xd4: {  	_ =	swait.ge @!p0 [sflag:s0], s1  }
0xd5: {  	s1 =	ssub.s32 @!p0 $0x0, s1;
	[sflag:s0] =	ssyncset.done @!p0 $0x0  }
0xd6: {  	[sflag:s0] =	ssyncadd.s32 @!p0 s1  }
0xd7: {  	[bflag:$0x3] =	sbarrier.arrive $0xFFFF  }
0xd8: {  	_ =	shalt  }

</sc_bundles>
